<compile_context>
chip_gen: v7x
topology: tpu7x:2x2x1
jax: 0.10.2.dev20260603
libtpu: 0.0.44.dev20260713+nightly
codegen_flags: <defaults>
</compile_context>

<pallas_src>
import functools

import jax
import jax.numpy as jnp
from jax import lax
from jax.experimental import pallas as pl
from jax.experimental.pallas import tpu as pltpu
from jax.experimental.pallas import tpu_sc as plsc

N = 10000
E = 320000
D_IN = 128
D_HID = 512
D_OUT = 200

NC = 2
NS = 16
CH = 128
CHUNKS = 158
CAPW = CHUNKS * CH
EPS = E // NS
WIN = 5120
TRASH = WIN
W_PAD = 6144
RPW = W_PAD // NS

@functools.cache
def _mesh():
    return plsc.VectorSubcoreMesh(
        core_axis_name="c", subcore_axis_name="s", num_cores=NC, num_subcores=NS
    )


import dataclasses as _dataclasses

_SC_PARAMS = pltpu.CompilerParams()
if "needs_layout_passes" in pltpu.CompilerParams.__dataclass_fields__:
    _SC_PARAMS = _dataclasses.replace(_SC_PARAMS, needs_layout_passes=False)


def _nchunks(nch_hbm, nch_v, c, s):
    pltpu.sync_copy(nch_hbm.at[c].at[s], nch_v)
    return lax.reduce_max(nch_v[...], (0,))


def _deg_body(dst_hbm, zeros_hbm, nch_hbm, out_hbm, idx_v, ones_v, nch_v,
              acc_sh, sem):
    c = lax.axis_index("c")
    s = lax.axis_index("s")
    n2 = _nchunks(nch_hbm, nch_v, c, s)
    for i in range(CH // 16):
        ones_v[pl.ds(i * 16, 16)] = jnp.full((16,), 1.0, jnp.float32)
    pltpu.sync_copy(zeros_hbm.at[pl.ds(s * RPW, RPW)], acc_sh.at[pl.ds(s * RPW, RPW)])
    pltpu.sync_copy(dst_hbm.at[s].at[c], idx_v)
    plsc.subcore_barrier()

    @pl.loop(0, n2)
    def _issue(j):
        pltpu.async_copy(ones_v, acc_sh.at[idx_v.at[j]], sem, add=True)

    @pl.loop(0, n2)
    def _drain(j):
        pltpu.make_async_copy(ones_v, acc_sh.at[idx_v.at[0]], sem).wait()

    plsc.subcore_barrier()
    pltpu.sync_copy(acc_sh.at[pl.ds(s * RPW, RPW)], out_hbm.at[c].at[pl.ds(s * RPW, RPW)])


@jax.jit
def _sc_degree(dst_idx, zeros1, nch):
    k = pl.kernel(
        _deg_body,
        out_type=jax.ShapeDtypeStruct((NC, W_PAD), jnp.float32),
        mesh=_mesh(),
        compiler_params=_SC_PARAMS,
        scratch_types=[
            pltpu.VMEM((CHUNKS, CH), jnp.int32),
            pltpu.VMEM((CH,), jnp.float32),
            pltpu.VMEM((16,), jnp.int32),
            pltpu.VMEM_SHARED((W_PAD,), jnp.float32),
            pltpu.SemaphoreType.DMA,
        ],
    )
    return k(dst_idx, zeros1, nch)


def _agg_body(G, x0_hbm, x1_hbm, src_hbm, dst_hbm, zeros_hbm, nch_hbm, out_hbm,
              srcv, dstv, nch_v, bufs, acc_sh, gsems, ssems):
    c = lax.axis_index("c")
    s = lax.axis_index("s")
    rows_mine = pl.ds(s * RPW, RPW)
    n2 = _nchunks(nch_hbm, nch_v, c, s)
    pltpu.sync_copy(src_hbm.at[s].at[c], srcv)
    pltpu.sync_copy(dst_hbm.at[s].at[c], dstv)
    for g in range(G):
        x_hbm = (x0_hbm, x1_hbm)[g]
        pltpu.sync_copy(zeros_hbm.at[rows_mine], acc_sh.at[rows_mine])
        plsc.subcore_barrier()

        def gather(j, k):
            pltpu.async_copy(x_hbm.at[srcv.at[j]], bufs[k], gsems[k])

        def scatter(j, k):
            pltpu.async_copy(bufs[k], acc_sh.at[dstv.at[j]], ssems[k], add=True)

        def wait_gather(k):
            pltpu.make_async_copy(x_hbm.at[srcv.at[0]], bufs[k], gsems[k]).wait()

        def wait_scatter(k):
            pltpu.make_async_copy(bufs[k], acc_sh.at[dstv.at[0]], ssems[k]).wait()

        gather(0, 0)

        @pl.loop(0, n2, step=2)
        def _pair(j):
            @pl.when(j > 0)
            def _():
                wait_scatter(1)
            gather(j + 1, 1)
            wait_gather(0)
            scatter(j, 0)
            wait_gather(1)
            scatter(j + 1, 1)
            wait_scatter(0)

            @pl.when(j + 2 < n2)
            def _():
                gather(j + 2, 0)

        wait_scatter(1)
        plsc.subcore_barrier()
        pltpu.sync_copy(acc_sh.at[rows_mine], out_hbm.at[c].at[g].at[rows_mine])
        plsc.subcore_barrier()


@functools.partial(jax.jit, static_argnums=0)
def _sc_aggregate(G, x0, x1, src_idx, dst_idx, zeros2, nch):
    k = pl.kernel(
        functools.partial(_agg_body, G),
        out_type=jax.ShapeDtypeStruct((NC, G, W_PAD, D_IN), jnp.float32),
        mesh=_mesh(),
        compiler_params=_SC_PARAMS,
        scratch_types=[
            pltpu.VMEM((CHUNKS, CH), jnp.int32),
            pltpu.VMEM((CHUNKS, CH), jnp.int32),
            pltpu.VMEM((16,), jnp.int32),
            [pltpu.VMEM((CH, D_IN), jnp.float32) for _ in range(2)],
            pltpu.VMEM_SHARED((W_PAD, D_IN), jnp.float32),
            [pltpu.SemaphoreType.DMA for _ in range(2)],
            [pltpu.SemaphoreType.DMA for _ in range(2)],
        ],
    )
    return k(x0, x1, src_idx, dst_idx, zeros2, nch)


def _tc_body(raw0_ref, xs_ref, dis_ref, w1_ref, b1_ref, w2_ref,
             o_ref, o0_ref, o1_ref):
    dis = dis_ref[...]
    r = (raw0_ref[...] + xs_ref[...]) * dis
    h = jax.lax.dot(r, w1_ref[...], precision=jax.lax.Precision.HIGHEST)
    h = jnp.maximum(h + b1_ref[...], 0.0)
    t = jax.lax.dot(h, w2_ref[...], precision=jax.lax.Precision.HIGHEST)
    ts = t * dis
    o_ref[...] = ts[:, :D_OUT]
    o0_ref[...] = ts[:, :D_IN]
    o1_ref[...] = ts[:, D_IN:]


BM = 1000


@jax.jit
def _tc_stage(raw0, xs, dis2, w1, b1r, w2p):
    return pl.pallas_call(
        _tc_body,
        grid=(N // BM,),
        in_specs=[
            pl.BlockSpec((BM, D_IN), lambda i: (i, 0)),
            pl.BlockSpec((BM, D_IN), lambda i: (i, 0)),
            pl.BlockSpec((BM, 1), lambda i: (i, 0)),
            pl.BlockSpec((D_IN, D_HID), lambda i: (0, 0)),
            pl.BlockSpec((1, D_HID), lambda i: (0, 0)),
            pl.BlockSpec((D_HID, 2 * D_IN), lambda i: (0, 0)),
        ],
        out_specs=[
            pl.BlockSpec((BM, D_OUT), lambda i: (i, 0)),
            pl.BlockSpec((BM, D_IN), lambda i: (i, 0)),
            pl.BlockSpec((BM, D_IN), lambda i: (i, 0)),
        ],
        out_shape=[
            jax.ShapeDtypeStruct((N, D_OUT), jnp.float32),
            jax.ShapeDtypeStruct((N, D_IN), jnp.float32),
            jax.ShapeDtypeStruct((N, D_IN), jnp.float32),
        ],
    )(raw0, xs, dis2, w1, b1r, w2p)


def kernel(edges, node_features, W1, b1, W2, b2):
    src = edges[0].reshape(NS, EPS)
    dst = edges[1].reshape(NS, EPS)
    win = dst // WIN
    dstl = dst - win * WIN
    m0 = win == 0
    r0 = jnp.cumsum(m0, axis=1)
    pos_in = jnp.arange(1, EPS + 1, dtype=jnp.int32)[None, :]
    base = (jnp.arange(NS, dtype=jnp.int32) * (NC * CAPW))[:, None]
    slot = base + jnp.where(m0, r0 - 1, CAPW + (pos_in - r0) - 1)
    srcp = jnp.zeros((NS * NC * CAPW,), jnp.int32).at[slot.reshape(-1)].add(
        src.reshape(-1), mode="drop", unique_indices=True)
    dstp = jnp.zeros((NS * NC * CAPW,), jnp.int32).at[slot.reshape(-1)].add(
        dstl.reshape(-1) + 1, mode="drop", unique_indices=True)
    dstp = jnp.where(dstp == 0, TRASH, dstp - 1)
    srcp = srcp.reshape(NS, NC, CHUNKS, CH)
    dstp = dstp.reshape(NS, NC, CHUNKS, CH)
    n0w = r0[:, -1]
    nch = jnp.stack([n0w, EPS - n0w])
    nch = jnp.clip((-(-nch // CH) + 1) // 2 * 2, 2, CHUNKS)
    nch16 = jnp.broadcast_to(nch[:, :, None], (NC, NS, 16)).astype(jnp.int32)

    zeros1 = jnp.zeros((W_PAD,), jnp.float32)
    zeros2 = jnp.zeros((W_PAD, D_IN), jnp.float32)

    degp = _sc_degree(dstp, zeros1, nch16)
    deg = jnp.concatenate([degp[0, :WIN], degp[1, :WIN]])[:N] + 1.0
    dis2 = lax.rsqrt(deg)[:, None]

    xs = node_features * dis2
    raw1 = _sc_aggregate(1, xs, xs, srcp, dstp, zeros2, nch16)
    raw1 = raw1[:, 0, :WIN].reshape(NC * WIN, D_IN)[:N]
    w2p = jnp.pad(W2, ((0, 0), (0, 2 * D_IN - D_OUT)))
    ts, ts0, ts1 = _tc_stage(raw1, xs, dis2, W1, b1[None, :], w2p)
    raw2 = _sc_aggregate(2, ts0, ts1, srcp, dstp, zeros2, nch16)
    raw2 = raw2[:, :, :WIN].transpose(0, 2, 1, 3).reshape(NC * WIN, 2 * D_IN)
    raw2 = raw2[:N, :D_OUT]
    return dis2 * (raw2 + ts) + b2[None, :]

# --- scband reference (transcript-rebuilt; emitter-appended) ---
"""Pipeline reference for scband-gcnrunner-40716289966747 (READ-ONLY COPY).

The authoritative reference and input builder live on the scoring server;
editing this copy changes nothing except your own understanding.
"""

import jax, jax.numpy as jnp
import numpy as np

N = 10000
E = 320000
D_IN = 128
D_HID = 512
D_OUT = 200


def gcn_conv(x, edge_index, W, b):
    # PyG-style GCNConv: add self-loops, symmetric normalization, scatter-add aggregation
    n = x.shape[0]
    loop = jnp.arange(n, dtype=edge_index.dtype)
    src = jnp.concatenate([edge_index[0], loop])
    dst = jnp.concatenate([edge_index[1], loop])
    deg = jnp.zeros((n,), dtype=x.dtype).at[dst].add(1.0)
    dis = jnp.where(deg > 0, jax.lax.rsqrt(jnp.maximum(deg, 1e-12)), 0.0)
    norm = dis[src] * dis[dst]
    h = x @ W
    msg = h[src] * norm[:, None]
    out = jnp.zeros((n, W.shape[1]), dtype=x.dtype).at[dst].add(msg)
    return out + b


def setup_inputs(seed: int = 0) -> dict:
    key = jax.random.key(seed)
    k1, k2, k3, k4 = jax.random.split(key, 4)
    edges = jax.random.randint(k1, (2, E), 0, N, dtype=jnp.int32)
    node_features = jax.random.normal(k2, (N, D_IN), dtype=jnp.float32)
    W1 = jax.random.normal(k3, (D_IN, D_HID), dtype=jnp.float32) / np.sqrt(D_IN)
    b1 = jnp.zeros((D_HID,), dtype=jnp.float32)
    W2 = jax.random.normal(k4, (D_HID, D_OUT), dtype=jnp.float32) / np.sqrt(D_HID)
    b2 = jnp.zeros((D_OUT,), dtype=jnp.float32)
    return {"edges": edges, "node_features": node_features, "W1": W1, "b1": b1, "W2": W2, "b2": b2}


def reference(edges, node_features, W1, b1, W2, b2):
    # 2-layer GCN (eval mode: dropout is identity)
    h = gcn_conv(node_features, edges, W1, b1)
    h = jax.nn.relu(h)
    out = gcn_conv(h, edges, W2, b2)
    return out

if __name__ == "__main__":
    import jax
    _d = setup_inputs()
    print(jax.jit(kernel)(*tuple(_d.values())))

</pallas_src>

<mosaic_0001>
#map = affine_map<(d0, d1) -> (0, 0, 0, 0)>
#map1 = affine_map<(d0, d1) -> (0)>
#map2 = affine_map<(d0, d1) -> (0, 0, 0)>
#map3 = affine_map<(d0, d1) -> (0, 0)>
module attributes {stable_mosaic.version = 14 : i64} {
  func.func @_deg_body(%arg0: i32, %arg1: i32, %arg2: memref<16x2x158x128xi32, #tpu.memory_space<hbm>>, %arg3: memref<6144xf32, #tpu.memory_space<hbm>>, %arg4: memref<2x16x16xi32, #tpu.memory_space<hbm>>, %arg5: memref<2x6144xf32, #tpu.memory_space<hbm>>, %arg6: memref<158x128xi32, #tpu.memory_space<vmem>>, %arg7: memref<128xf32, #tpu.memory_space<vmem>>, %arg8: memref<16xi32, #tpu.memory_space<vmem>>, %arg9: memref<6144xf32, #tpu.memory_space<vmem_shared>>, %arg10: memref<!tpu.dma_semaphore, #tpu.memory_space<semaphore_mem>>) attributes {dimension_semantics = [#tpu.dimension_semantics<core_parallel>, #tpu.dimension_semantics<subcore_parallel>], iteration_bounds = array<i64: 2, 16>, scalar_prefetch = 0 : i64, scratch_operands = 5 : i64, tpu.core_type = #tpu.core_type<sc_vector_subcore>, window_params = [{transform_indices = #map}, {transform_indices = #map1}, {transform_indices = #map2}, {transform_indices = #map3}]} {
    "tpu.region"() ({
      %run_scoped3A = tpu.sem_alloc : memref<!tpu.dma_semaphore, #tpu.memory_space<semaphore_mem>>
      %dma_start3A = arith.constant 0 : i32
      %dma_start3A_80 = arith.constant 0 : i32
      %dma_start3A_81 = tpu.memref_slice %arg4[%arg0, %dma_start3A, %dma_start3A_80] : memref<2x16x16xi32, #tpu.memory_space<hbm>> -> memref<1x16x16xi32, #tpu.memory_space<hbm>>
      %dma_start3A_82 = tpu.memref_squeeze %dma_start3A_81 : memref<1x16x16xi32, #tpu.memory_space<hbm>> -> memref<16x16xi32, #tpu.memory_space<hbm>>
      %dma_start3A_83 = arith.constant 0 : i32
      %dma_start3A_84 = tpu.memref_slice %dma_start3A_82[%arg1, %dma_start3A_83] : memref<16x16xi32, #tpu.memory_space<hbm>> -> memref<1x16xi32, #tpu.memory_space<hbm>>
      %dma_start3A_85 = tpu.memref_squeeze %dma_start3A_84 : memref<1x16xi32, #tpu.memory_space<hbm>> -> memref<16xi32, #tpu.memory_space<hbm>>
      %dma_start3A_86 = arith.constant 0 : i32
      %dma_start3A_87 = arith.constant 0 : i32
      %dma_start3A_88 = tpu.memref_slice %arg4[%arg0, %dma_start3A_86, %dma_start3A_87] : memref<2x16x16xi32, #tpu.memory_space<hbm>> -> memref<1x16x16xi32, #tpu.memory_space<hbm>>
      %dma_start3A_89 = tpu.memref_squeeze %dma_start3A_88 : memref<1x16x16xi32, #tpu.memory_space<hbm>> -> memref<16x16xi32, #tpu.memory_space<hbm>>
      %dma_start3A_90 = arith.constant 0 : i32
      %dma_start3A_91 = tpu.memref_slice %dma_start3A_89[%arg1, %dma_start3A_90] : memref<16x16xi32, #tpu.memory_space<hbm>> -> memref<1x16xi32, #tpu.memory_space<hbm>>
      %dma_start3A_92 = tpu.memref_squeeze %dma_start3A_91 : memref<1x16xi32, #tpu.memory_space<hbm>> -> memref<16xi32, #tpu.memory_space<hbm>>
      tpu.enqueue_dma source(%dma_start3A_92 : memref<16xi32, #tpu.memory_space<hbm>>) target(%arg8 : memref<16xi32, #tpu.memory_space<vmem>>) target_semaphore(%run_scoped3A : memref<!tpu.dma_semaphore, #tpu.memory_space<semaphore_mem>>)
      %dma_wait3A = arith.constant 0 : i32
      %dma_wait3A_93 = arith.constant 0 : i32
      %dma_wait3A_94 = tpu.memref_slice %arg4[%arg0, %dma_wait3A, %dma_wait3A_93] : memref<2x16x16xi32, #tpu.memory_space<hbm>> -> memref<1x16x16xi32, #tpu.memory_space<hbm>>
      %dma_wait3A_95 = tpu.memref_squeeze %dma_wait3A_94 : memref<1x16x16xi32, #tpu.memory_space<hbm>> -> memref<16x16xi32, #tpu.memory_space<hbm>>
      %dma_wait3A_96 = arith.constant 0 : i32
      %dma_wait3A_97 = tpu.memref_slice %dma_wait3A_95[%arg1, %dma_wait3A_96] : memref<16x16xi32, #tpu.memory_space<hbm>> -> memref<1x16xi32, #tpu.memory_space<hbm>>
      %dma_wait3A_98 = tpu.memref_squeeze %dma_wait3A_97 : memref<1x16xi32, #tpu.memory_space<hbm>> -> memref<16xi32, #tpu.memory_space<hbm>>
      %dma_wait3A_99 = arith.constant 0 : i32
      %dma_wait3A_100 = arith.constant 0 : i32
      %dma_wait3A_101 = tpu.memref_slice %arg4[%arg0, %dma_wait3A_99, %dma_wait3A_100] : memref<2x16x16xi32, #tpu.memory_space<hbm>> -> memref<1x16x16xi32, #tpu.memory_space<hbm>>
      %dma_wait3A_102 = tpu.memref_squeeze %dma_wait3A_101 : memref<1x16x16xi32, #tpu.memory_space<hbm>> -> memref<16x16xi32, #tpu.memory_space<hbm>>
      %dma_wait3A_103 = arith.constant 0 : i32
      %dma_wait3A_104 = tpu.memref_slice %dma_wait3A_102[%arg1, %dma_wait3A_103] : memref<16x16xi32, #tpu.memory_space<hbm>> -> memref<1x16xi32, #tpu.memory_space<hbm>>
      %dma_wait3A_105 = tpu.memref_squeeze %dma_wait3A_104 : memref<1x16xi32, #tpu.memory_space<hbm>> -> memref<16xi32, #tpu.memory_space<hbm>>
      tpu.wait_dma2 semaphore(%run_scoped3A : memref<!tpu.dma_semaphore, #tpu.memory_space<semaphore_mem>>) src(%dma_wait3A_105 : memref<16xi32, #tpu.memory_space<hbm>>) dst(%arg8 : memref<16xi32, #tpu.memory_space<vmem>>)
      tpu.yield
    }) : () -> ()
    %get3A = arith.constant 0 : index
    %get3A_0 = tpu.vector_load %arg8[%get3A] {strides = array<i32>} : memref<16xi32, #tpu.memory_space<vmem>>, vector<16xi32>,
    %reduce_max3A = arith.constant true
    %reduce_max3A_1 = vector.broadcast %reduce_max3A : i1 to vector<16xi1>
    %reduce_max3A_2 = arith.constant -2147483648 : i32
    %reduce_max3A_3 = vector.broadcast %reduce_max3A_2 : i32 to vector<16xi32>
    %reduce_max3A_4 = arith.xori %get3A_0, %reduce_max3A_3 : vector<16xi32>
    %reduce_max3A_5 = tpu.scan <max>, %reduce_max3A_4 masked %reduce_max3A_1 : vector<16xi32>, vector<16xi1> -> vector<16xi32>
    %reduce_max3A_6 = arith.xori %reduce_max3A_5, %reduce_max3A_3 : vector<16xi32>
    %reduce_max3A_7 = vector.extract %reduce_max3A_6[15] : i32 from vector<16xi32>
    %broadcast_in_dim3A = arith.constant 1.000000e+00 : f32
    %broadcast_in_dim3A_8 = vector.broadcast %broadcast_in_dim3A : f32 to vector<16xf32>
    %swap3A = arith.constant 0 : index
    %swap3A_9 = tpu.vector_load %arg7[%swap3A] {strides = array<i32>} : memref<128xf32, #tpu.memory_space<vmem>>, vector<16xf32>,
    tpu.vector_store %arg7[%swap3A], %broadcast_in_dim3A_8 {strides = array<i32>} : memref<128xf32, #tpu.memory_space<vmem>>, vector<16xf32>,
    %broadcast_in_dim3A_10 = arith.constant 1.000000e+00 : f32
    %broadcast_in_dim3A_11 = vector.broadcast %broadcast_in_dim3A_10 : f32 to vector<16xf32>
    %swap3A_12 = arith.constant 16 : index
    %swap3A_13 = tpu.vector_load %arg7[%swap3A_12] {strides = array<i32>} : memref<128xf32, #tpu.memory_space<vmem>>, vector<16xf32>,
    tpu.vector_store %arg7[%swap3A_12], %broadcast_in_dim3A_11 {strides = array<i32>} : memref<128xf32, #tpu.memory_space<vmem>>, vector<16xf32>,
    %broadcast_in_dim3A_14 = arith.constant 1.000000e+00 : f32
    %broadcast_in_dim3A_15 = vector.broadcast %broadcast_in_dim3A_14 : f32 to vector<16xf32>
    %swap3A_16 = arith.constant 32 : index
    %swap3A_17 = tpu.vector_load %arg7[%swap3A_16] {strides = array<i32>} : memref<128xf32, #tpu.memory_space<vmem>>, vector<16xf32>,
    tpu.vector_store %arg7[%swap3A_16], %broadcast_in_dim3A_15 {strides = array<i32>} : memref<128xf32, #tpu.memory_space<vmem>>, vector<16xf32>,
    %broadcast_in_dim3A_18 = arith.constant 1.000000e+00 : f32
    %broadcast_in_dim3A_19 = vector.broadcast %broadcast_in_dim3A_18 : f32 to vector<16xf32>
    %swap3A_20 = arith.constant 48 : index
    %swap3A_21 = tpu.vector_load %arg7[%swap3A_20] {strides = array<i32>} : memref<128xf32, #tpu.memory_space<vmem>>, vector<16xf32>,
    tpu.vector_store %arg7[%swap3A_20], %broadcast_in_dim3A_19 {strides = array<i32>} : memref<128xf32, #tpu.memory_space<vmem>>, vector<16xf32>,
    %broadcast_in_dim3A_22 = arith.constant 1.000000e+00 : f32
    %broadcast_in_dim3A_23 = vector.broadcast %broadcast_in_dim3A_22 : f32 to vector<16xf32>
    %swap3A_24 = arith.constant 64 : index
    %swap3A_25 = tpu.vector_load %arg7[%swap3A_24] {strides = array<i32>} : memref<128xf32, #tpu.memory_space<vmem>>, vector<16xf32>,
    tpu.vector_store %arg7[%swap3A_24], %broadcast_in_dim3A_23 {strides = array<i32>} : memref<128xf32, #tpu.memory_space<vmem>>, vector<16xf32>,
    %broadcast_in_dim3A_26 = arith.constant 1.000000e+00 : f32
    %broadcast_in_dim3A_27 = vector.broadcast %broadcast_in_dim3A_26 : f32 to vector<16xf32>
    %swap3A_28 = arith.constant 80 : index
    %swap3A_29 = tpu.vector_load %arg7[%swap3A_28] {strides = array<i32>} : memref<128xf32, #tpu.memory_space<vmem>>, vector<16xf32>,
    tpu.vector_store %arg7[%swap3A_28], %broadcast_in_dim3A_27 {strides = array<i32>} : memref<128xf32, #tpu.memory_space<vmem>>, vector<16xf32>,
    %broadcast_in_dim3A_30 = arith.constant 1.000000e+00 : f32
    %broadcast_in_dim3A_31 = vector.broadcast %broadcast_in_dim3A_30 : f32 to vector<16xf32>
    %swap3A_32 = arith.constant 96 : index
    %swap3A_33 = tpu.vector_load %arg7[%swap3A_32] {strides = array<i32>} : memref<128xf32, #tpu.memory_space<vmem>>, vector<16xf32>,
    tpu.vector_store %arg7[%swap3A_32], %broadcast_in_dim3A_31 {strides = array<i32>} : memref<128xf32, #tpu.memory_space<vmem>>, vector<16xf32>,
    %broadcast_in_dim3A_34 = arith.constant 1.000000e+00 : f32
    %broadcast_in_dim3A_35 = vector.broadcast %broadcast_in_dim3A_34 : f32 to vector<16xf32>
    %swap3A_36 = arith.constant 112 : index
    %swap3A_37 = tpu.vector_load %arg7[%swap3A_36] {strides = array<i32>} : memref<128xf32, #tpu.memory_space<vmem>>, vector<16xf32>,
    tpu.vector_store %arg7[%swap3A_36], %broadcast_in_dim3A_35 {strides = array<i32>} : memref<128xf32, #tpu.memory_space<vmem>>, vector<16xf32>,
    %mul3A = arith.constant 384 : i32
    %mul3A_38 = arith.muli %arg1, %mul3A : i32
    %mul3A_39 = arith.constant 384 : i32
    %mul3A_40 = arith.muli %arg1, %mul3A_39 : i32
    "tpu.region"() ({
      %run_scoped3A = tpu.sem_alloc : memref<!tpu.dma_semaphore, #tpu.memory_space<semaphore_mem>>
      %dma_start3A = tpu.memref_slice %arg9[%mul3A_40] : memref<6144xf32, #tpu.memory_space<vmem_shared>> -> memref<384xf32, #tpu.memory_space<vmem_shared>>
      %dma_start3A_80 = tpu.memref_slice %arg3[%mul3A_38] : memref<6144xf32, #tpu.memory_space<hbm>> -> memref<384xf32, #tpu.memory_space<hbm>>
      tpu.enqueue_dma source(%dma_start3A_80 : memref<384xf32, #tpu.memory_space<hbm>>) target(%dma_start3A : memref<384xf32, #tpu.memory_space<vmem_shared>>) target_semaphore(%run_scoped3A : memref<!tpu.dma_semaphore, #tpu.memory_space<semaphore_mem>>)
      %dma_wait3A = tpu.memref_slice %arg9[%mul3A_40] : memref<6144xf32, #tpu.memory_space<vmem_shared>> -> memref<384xf32, #tpu.memory_space<vmem_shared>>
      %dma_wait3A_81 = tpu.memref_slice %arg3[%mul3A_38] : memref<6144xf32, #tpu.memory_space<hbm>> -> memref<384xf32, #tpu.memory_space<hbm>>
      tpu.wait_dma2 semaphore(%run_scoped3A : memref<!tpu.dma_semaphore, #tpu.memory_space<semaphore_mem>>) src(%dma_wait3A_81 : memref<384xf32, #tpu.memory_space<hbm>>) dst(%dma_wait3A : memref<384xf32, #tpu.memory_space<vmem_shared>>)
      tpu.yield
    }) : () -> ()
    "tpu.region"() ({
      %run_scoped3A = tpu.sem_alloc : memref<!tpu.dma_semaphore, #tpu.memory_space<semaphore_mem>>
      %dma_start3A = arith.constant 0 : i32
      %dma_start3A_80 = arith.constant 0 : i32
      %dma_start3A_81 = arith.constant 0 : i32
      %dma_start3A_82 = tpu.memref_slice %arg2[%arg1, %dma_start3A, %dma_start3A_80, %dma_start3A_81] : memref<16x2x158x128xi32, #tpu.memory_space<hbm>> -> memref<1x2x158x128xi32, #tpu.memory_space<hbm>>
      %dma_start3A_83 = tpu.memref_squeeze %dma_start3A_82 : memref<1x2x158x128xi32, #tpu.memory_space<hbm>> -> memref<2x158x128xi32, #tpu.memory_space<hbm>>
      %dma_start3A_84 = arith.constant 0 : i32
      %dma_start3A_85 = arith.constant 0 : i32
      %dma_start3A_86 = tpu.memref_slice %dma_start3A_83[%arg0, %dma_start3A_84, %dma_start3A_85] : memref<2x158x128xi32, #tpu.memory_space<hbm>> -> memref<1x158x128xi32, #tpu.memory_space<hbm>>
      %dma_start3A_87 = tpu.memref_squeeze %dma_start3A_86 : memref<1x158x128xi32, #tpu.memory_space<hbm>> -> memref<158x128xi32, #tpu.memory_space<hbm>>
      %dma_start3A_88 = arith.constant 0 : i32
      %dma_start3A_89 = arith.constant 0 : i32
      %dma_start3A_90 = arith.constant 0 : i32
      %dma_start3A_91 = tpu.memref_slice %arg2[%arg1, %dma_start3A_88, %dma_start3A_89, %dma_start3A_90] : memref<16x2x158x128xi32, #tpu.memory_space<hbm>> -> memref<1x2x158x128xi32, #tpu.memory_space<hbm>>
      %dma_start3A_92 = tpu.memref_squeeze %dma_start3A_91 : memref<1x2x158x128xi32, #tpu.memory_space<hbm>> -> memref<2x158x128xi32, #tpu.memory_space<hbm>>
      %dma_start3A_93 = arith.constant 0 : i32
      %dma_start3A_94 = arith.constant 0 : i32
      %dma_start3A_95 = tpu.memref_slice %dma_start3A_92[%arg0, %dma_start3A_93, %dma_start3A_94] : memref<2x158x128xi32, #tpu.memory_space<hbm>> -> memref<1x158x128xi32, #tpu.memory_space<hbm>>
      %dma_start3A_96 = tpu.memref_squeeze %dma_start3A_95 : memref<1x158x128xi32, #tpu.memory_space<hbm>> -> memref<158x128xi32, #tpu.memory_space<hbm>>
      tpu.enqueue_dma source(%dma_start3A_96 : memref<158x128xi32, #tpu.memory_space<hbm>>) target(%arg6 : memref<158x128xi32, #tpu.memory_space<vmem>>) target_semaphore(%run_scoped3A : memref<!tpu.dma_semaphore, #tpu.memory_space<semaphore_mem>>)
      %dma_wait3A = arith.constant 0 : i32
      %dma_wait3A_97 = arith.constant 0 : i32
      %dma_wait3A_98 = arith.constant 0 : i32
      %dma_wait3A_99 = tpu.memref_slice %arg2[%arg1, %dma_wait3A, %dma_wait3A_97, %dma_wait3A_98] : memref<16x2x158x128xi32, #tpu.memory_space<hbm>> -> memref<1x2x158x128xi32, #tpu.memory_space<hbm>>
      %dma_wait3A_100 = tpu.memref_squeeze %dma_wait3A_99 : memref<1x2x158x128xi32, #tpu.memory_space<hbm>> -> memref<2x158x128xi32, #tpu.memory_space<hbm>>
      %dma_wait3A_101 = arith.constant 0 : i32
      %dma_wait3A_102 = arith.constant 0 : i32
      %dma_wait3A_103 = tpu.memref_slice %dma_wait3A_100[%arg0, %dma_wait3A_101, %dma_wait3A_102] : memref<2x158x128xi32, #tpu.memory_space<hbm>> -> memref<1x158x128xi32, #tpu.memory_space<hbm>>
      %dma_wait3A_104 = tpu.memref_squeeze %dma_wait3A_103 : memref<1x158x128xi32, #tpu.memory_space<hbm>> -> memref<158x128xi32, #tpu.memory_space<hbm>>
      %dma_wait3A_105 = arith.constant 0 : i32
      %dma_wait3A_106 = arith.constant 0 : i32
      %dma_wait3A_107 = arith.constant 0 : i32
      %dma_wait3A_108 = tpu.memref_slice %arg2[%arg1, %dma_wait3A_105, %dma_wait3A_106, %dma_wait3A_107] : memref<16x2x158x128xi32, #tpu.memory_space<hbm>> -> memref<1x2x158x128xi32, #tpu.memory_space<hbm>>
      %dma_wait3A_109 = tpu.memref_squeeze %dma_wait3A_108 : memref<1x2x158x128xi32, #tpu.memory_space<hbm>> -> memref<2x158x128xi32, #tpu.memory_space<hbm>>
      %dma_wait3A_110 = arith.constant 0 : i32
      %dma_wait3A_111 = arith.constant 0 : i32
      %dma_wait3A_112 = tpu.memref_slice %dma_wait3A_109[%arg0, %dma_wait3A_110, %dma_wait3A_111] : memref<2x158x128xi32, #tpu.memory_space<hbm>> -> memref<1x158x128xi32, #tpu.memory_space<hbm>>
      %dma_wait3A_113 = tpu.memref_squeeze %dma_wait3A_112 : memref<1x158x128xi32, #tpu.memory_space<hbm>> -> memref<158x128xi32, #tpu.memory_space<hbm>>
      tpu.wait_dma2 semaphore(%run_scoped3A : memref<!tpu.dma_semaphore, #tpu.memory_space<semaphore_mem>>) src(%dma_wait3A_113 : memref<158x128xi32, #tpu.memory_space<hbm>>) dst(%arg6 : memref<158x128xi32, #tpu.memory_space<vmem>>)
      tpu.yield
    }) : () -> ()
    %barrier3A = arith.constant 0 : index
    tpu.barrier barrier_id(%barrier3A)
    %sub3A = arith.constant 0 : i32
    %sub3A_41 = arith.subi %reduce_max3A_7, %sub3A : i32
    %sub3A_42 = arith.constant 1 : i32
    %sub3A_43 = arith.constant 1 : i32
    %sub3A_44 = arith.subi %sub3A_42, %sub3A_43 : i32
    %add3A = arith.addi %sub3A_41, %sub3A_44 : i32
    %div3A = arith.constant 1 : i32
    %div3A_45 = arith.divsi %add3A, %div3A : i32
    %while3A = arith.constant 1 : i32
    %while3A_46 = arith.constant 0 : i32
    %while3A_47 = arith.constant 0 : i32
    %while3A_48 = arith.subi %div3A_45, %while3A_47 : i32
    %while3A_49 = arith.addi %while3A_47, %while3A_48 : i32
    %while3A_50 = arith.constant 1 : i32
    %while3A_51 = arith.divsi %while3A_48, %while3A_50 : i32
    %while3A_52 = arith.muli %while3A_51, %while3A_50 : i32
    %while3A_53 = arith.addi %while3A_47, %while3A_52 : i32
    %while3A_54 = arith.constant 1 : i32
    scf.for %while3A_80 = %while3A_47 to %while3A_53 step %while3A_54  : i32 {
      %mul3A_81 = arith.muli %while3A_80, %while3A : i32
      %add3A_82 = arith.addi %while3A_46, %mul3A_81 : i32
      %dma_start3A = arith.constant 0 : i32
      %dma_start3A_83 = tpu.memref_slice %arg6[%add3A_82, %dma_start3A] : memref<158x128xi32, #tpu.memory_space<vmem>> -> memref<1x128xi32, #tpu.memory_space<vmem>>
      %dma_start3A_84 = tpu.memref_squeeze %dma_start3A_83 : memref<1x128xi32, #tpu.memory_space<vmem>> -> memref<128xi32, #tpu.memory_space<vmem>>
      %dma_start3A_85 = arith.constant 0 : i32
      %dma_start3A_86 = tpu.memref_slice %arg9[%dma_start3A_85] : memref<6144xf32, #tpu.memory_space<vmem_shared>> -> memref<6144xf32, #tpu.memory_space<vmem_shared>>
      tpu.enqueue_indirect_dma source(%arg7 : memref<128xf32, #tpu.memory_space<vmem>>) target(%dma_start3A_86 : memref<6144xf32, #tpu.memory_space<vmem_shared>>) offsets(%dma_start3A_84 : memref<128xi32, #tpu.memory_space<vmem>>) semaphore(%arg10 : memref<!tpu.dma_semaphore, #tpu.memory_space<semaphore_mem>>) {add = true}
    }
    %while3A_55 = arith.constant 1 : i32
    scf.for %while3A_80 = %while3A_53 to %while3A_49 step %while3A_55  : i32 {
      %mul3A_81 = arith.muli %while3A_80, %while3A : i32
      %add3A_82 = arith.addi %while3A_46, %mul3A_81 : i32
      %dma_start3A = arith.constant 0 : i32
      %dma_start3A_83 = tpu.memref_slice %arg6[%add3A_82, %dma_start3A] : memref<158x128xi32, #tpu.memory_space<vmem>> -> memref<1x128xi32, #tpu.memory_space<vmem>>
      %dma_start3A_84 = tpu.memref_squeeze %dma_start3A_83 : memref<1x128xi32, #tpu.memory_space<vmem>> -> memref<128xi32, #tpu.memory_space<vmem>>
      %dma_start3A_85 = arith.constant 0 : i32
      %dma_start3A_86 = tpu.memref_slice %arg9[%dma_start3A_85] : memref<6144xf32, #tpu.memory_space<vmem_shared>> -> memref<6144xf32, #tpu.memory_space<vmem_shared>>
      tpu.enqueue_indirect_dma source(%arg7 : memref<128xf32, #tpu.memory_space<vmem>>) target(%dma_start3A_86 : memref<6144xf32, #tpu.memory_space<vmem_shared>>) offsets(%dma_start3A_84 : memref<128xi32, #tpu.memory_space<vmem>>) semaphore(%arg10 : memref<!tpu.dma_semaphore, #tpu.memory_space<semaphore_mem>>) {add = true}
    }
    %sub3A_56 = arith.constant 0 : i32
    %sub3A_57 = arith.subi %reduce_max3A_7, %sub3A_56 : i32
    %sub3A_58 = arith.constant 1 : i32
    %sub3A_59 = arith.constant 1 : i32
    %sub3A_60 = arith.subi %sub3A_58, %sub3A_59 : i32
    %add3A_61 = arith.addi %sub3A_57, %sub3A_60 : i32
    %div3A_62 = arith.constant 1 : i32
    %div3A_63 = arith.divsi %add3A_61, %div3A_62 : i32
    %while3A_64 = arith.constant 1 : i32
    %while3A_65 = arith.constant 0 : i32
    %while3A_66 = arith.constant 0 : i32
    %while3A_67 = arith.subi %div3A_63, %while3A_66 : i32
    %while3A_68 = arith.addi %while3A_66, %while3A_67 : i32
    %while3A_69 = arith.constant 1 : i32
    %while3A_70 = arith.divsi %while3A_67, %while3A_69 : i32
    %while3A_71 = arith.muli %while3A_70, %while3A_69 : i32
    %while3A_72 = arith.addi %while3A_66, %while3A_71 : i32
    %while3A_73 = arith.constant 1 : i32
    scf.for %while3A_80 = %while3A_66 to %while3A_72 step %while3A_73  : i32 {
      %mul3A_81 = arith.muli %while3A_80, %while3A_64 : i32
      %add3A_82 = arith.addi %while3A_65, %mul3A_81 : i32
      %dma_wait3A = arith.constant 0 : i32
      %dma_wait3A_83 = arith.constant 0 : i32
      %dma_wait3A_84 = tpu.memref_slice %arg6[%dma_wait3A, %dma_wait3A_83] : memref<158x128xi32, #tpu.memory_space<vmem>> -> memref<1x128xi32, #tpu.memory_space<vmem>>
      %dma_wait3A_85 = tpu.memref_squeeze %dma_wait3A_84 : memref<1x128xi32, #tpu.memory_space<vmem>> -> memref<128xi32, #tpu.memory_space<vmem>>
      %dma_wait3A_86 = arith.constant 0 : i32
      %dma_wait3A_87 = tpu.memref_slice %arg9[%dma_wait3A_86] : memref<6144xf32, #tpu.memory_space<vmem_shared>> -> memref<6144xf32, #tpu.memory_space<vmem_shared>>
      tpu.wait_indirect_dma semaphore(%arg10 : memref<!tpu.dma_semaphore, #tpu.memory_space<semaphore_mem>>) src(%arg7 : memref<128xf32, #tpu.memory_space<vmem>>) dst(%dma_wait3A_87 : memref<6144xf32, #tpu.memory_space<vmem_shared>>)
    }
    %while3A_74 = arith.constant 1 : i32
    scf.for %while3A_80 = %while3A_72 to %while3A_68 step %while3A_74  : i32 {
      %mul3A_81 = arith.muli %while3A_80, %while3A_64 : i32
      %add3A_82 = arith.addi %while3A_65, %mul3A_81 : i32
      %dma_wait3A = arith.constant 0 : i32
      %dma_wait3A_83 = arith.constant 0 : i32
      %dma_wait3A_84 = tpu.memref_slice %arg6[%dma_wait3A, %dma_wait3A_83] : memref<158x128xi32, #tpu.memory_space<vmem>> -> memref<1x128xi32, #tpu.memory_space<vmem>>
      %dma_wait3A_85 = tpu.memref_squeeze %dma_wait3A_84 : memref<1x128xi32, #tpu.memory_space<vmem>> -> memref<128xi32, #tpu.memory_space<vmem>>
      %dma_wait3A_86 = arith.constant 0 : i32
      %dma_wait3A_87 = tpu.memref_slice %arg9[%dma_wait3A_86] : memref<6144xf32, #tpu.memory_space<vmem_shared>> -> memref<6144xf32, #tpu.memory_space<vmem_shared>>
      tpu.wait_indirect_dma semaphore(%arg10 : memref<!tpu.dma_semaphore, #tpu.memory_space<semaphore_mem>>) src(%arg7 : memref<128xf32, #tpu.memory_space<vmem>>) dst(%dma_wait3A_87 : memref<6144xf32, #tpu.memory_space<vmem_shared>>)
    }
    %barrier3A_75 = arith.constant 0 : index
    tpu.barrier barrier_id(%barrier3A_75)
    %mul3A_76 = arith.constant 384 : i32
    %mul3A_77 = arith.muli %arg1, %mul3A_76 : i32
    %mul3A_78 = arith.constant 384 : i32
    %mul3A_79 = arith.muli %arg1, %mul3A_78 : i32
    "tpu.region"() ({
      %run_scoped3A = tpu.sem_alloc : memref<!tpu.dma_semaphore, #tpu.memory_space<semaphore_mem>>
      %dma_start3A = arith.constant 0 : i32
      %dma_start3A_80 = tpu.memref_slice %arg5[%arg0, %dma_start3A] : memref<2x6144xf32, #tpu.memory_space<hbm>> -> memref<1x6144xf32, #tpu.memory_space<hbm>>
      %dma_start3A_81 = tpu.memref_squeeze %dma_start3A_80 : memref<1x6144xf32, #tpu.memory_space<hbm>> -> memref<6144xf32, #tpu.memory_space<hbm>>
      %dma_start3A_82 = tpu.memref_slice %dma_start3A_81[%mul3A_79] : memref<6144xf32, #tpu.memory_space<hbm>> -> memref<384xf32, #tpu.memory_space<hbm>>
      %dma_start3A_83 = tpu.memref_slice %arg9[%mul3A_77] : memref<6144xf32, #tpu.memory_space<vmem_shared>> -> memref<384xf32, #tpu.memory_space<vmem_shared>>
      tpu.enqueue_dma source(%dma_start3A_83 : memref<384xf32, #tpu.memory_space<vmem_shared>>) target(%dma_start3A_82 : memref<384xf32, #tpu.memory_space<hbm>>) target_semaphore(%run_scoped3A : memref<!tpu.dma_semaphore, #tpu.memory_space<semaphore_mem>>)
      %dma_wait3A = arith.constant 0 : i32
      %dma_wait3A_84 = tpu.memref_slice %arg5[%arg0, %dma_wait3A] : memref<2x6144xf32, #tpu.memory_space<hbm>> -> memref<1x6144xf32, #tpu.memory_space<hbm>>
      %dma_wait3A_85 = tpu.memref_squeeze %dma_wait3A_84 : memref<1x6144xf32, #tpu.memory_space<hbm>> -> memref<6144xf32, #tpu.memory_space<hbm>>
      %dma_wait3A_86 = tpu.memref_slice %dma_wait3A_85[%mul3A_79] : memref<6144xf32, #tpu.memory_space<hbm>> -> memref<384xf32, #tpu.memory_space<hbm>>
      %dma_wait3A_87 = tpu.memref_slice %arg9[%mul3A_77] : memref<6144xf32, #tpu.memory_space<vmem_shared>> -> memref<384xf32, #tpu.memory_space<vmem_shared>>
      tpu.wait_dma2 semaphore(%run_scoped3A : memref<!tpu.dma_semaphore, #tpu.memory_space<semaphore_mem>>) src(%dma_wait3A_87 : memref<384xf32, #tpu.memory_space<vmem_shared>>) dst(%dma_wait3A_86 : memref<384xf32, #tpu.memory_space<hbm>>)
      tpu.yield
    }) : () -> ()
    return
  }
}

</mosaic_0001>

<sc_bundles>
// kernel: _sc_degree.3.cloned.1.call-start
scs
__scs_entry_jumppad:
0x0: {  	(pc) =	sbr.rel $0x88, $3  }
0x1: {  	(tag) =	ssettag $0x0;
	lr =	simm.s32 $0x1  }
0x2: {  	[smem:$0x3F9E] =	sst lr;
	_ =	strace $0xD0000000  }
0x3: {  	_ = 	snop  }
0x4: {  	_ = 	snop  }
0x5: {  	_ = 	snop  }
0x6: {  	_ = 	snop  }
0x7: {  	_ = 	snop  }
__scs_overlays_trampoline_lowered:
0x8: {  	[smem:$0x3FAD] =	sst s0  }
0x9: {  	[smem:$0x3FAE] =	sst s1  }
0xa: {  	[smem:$0x3FAF] =	sst s2  }
0xb: {  	[smem:$0x3FB0] =	sst s3  }
0xc: {  	[smem:$0x3FB1] =	sst s4  }
0xd: {  	[smem:$0x3FB2] =	sst s5  }
0xe: {  	[smem:$0x3FB3] =	sst s6  }
0xf: {  	[smem:$0x3FB4] =	sst s7  }
0x10: {  	[smem:$0x3FB5] =	sst s8  }
0x11: {  	[smem:$0x3FB6] =	sst s9;
	s0 =	simm.s32 @!p0 $0x0  }
0x12: {  	s1 =	sld [smem:$0x3F9C];
	s0 =	simm.s32 @p0 $0x1  }
0x13: {  	[smem:$0x3FB7] =	sst s0;
	s0 =	simm.s32 @!p1 $0x0  }
0x14: {  	s2 =	sld [smem:$0x3F9B];
	s0 =	simm.s32 @p1 $0x1  }
0x15: {  	[smem:$0x3FB8] =	sst s0;
	s0 =	simm.s32 @!p2 $0x0  }
0x16: {  	s3 =	sld [smem:$0x3FDB];
	s0 =	simm.s32 @p2 $0x1  }
0x17: {  	s4 =	simm.s32 $0x1BF5;
	[smem:$0x3FBA] =	sst s0  }
0x18: {  	s0 =	sld [smem:$0x3F9D];
	_ =	swait.ge [sflag:s4], $0x0  }
0x19: {  	s7 =	sld [smem:$0x3F9E]  }
0x1a: {  	s8 =	sadd.s32 $0xFFFFE003, lr  }
0x1b: {  	s9 =	sadd.s32 $0xFFFFFEF7, lr;
	s5 =	simm.s32 $0xFFFFFFFF;
	p2 =	slt.u32 s8, $0xFFFFF086  }
0x1c: {  	p1 =	slt.u32 s9, $0xF7A;
	s5 =	simm.s32 @!p2 $0x0  }
0x1d: {  	s5 =	simm.s32 @p1 $0x1;
	p0 =	seq.s32 s7, s2  }
0x1e: {  	s7 =	smul.u32 @!p0 $0xF7A, s2;
	p2 =	seq.s32 @!p0 s5, $0x0  }
0x1f: {  	s9 =	smul.u32 $0xF7A, s1;
	s8 =	simm.s32 @!p0 $0x1BF5;
	p2 =	por !p2, p0  }
0x20: {  	[sflag:s8] =	ssyncset.s32 @!p0 $0xFFFFF086;
	s6 =	sadd.s32 @!p0 s3, s7;
	s7 =	simm.s32 @!p0 $0x108  }
0x21: {  	s3 =	sadd.s32 s3, s9;
	s6 =	sadd.s32 @!p0 $0x88, s6;
	s7 =	simm.s32 @p2 $0x1082  }
0x22: {  	[simem:s7], [sflag:s8] =	dma.local @!p0 [hbm:s6], $0xF7A  }
0x23: {  	s9 =	sor.u32 $0xD0000000, s2;
	s6 =	simm.s32 $0x108;
	_ =	swait.ge @!p0 [sflag:s8], $0x0  }
0x24: {  	s3 =	sadd.s32 $0x88, s3;
	s6 =	simm.s32 @!p1 $0x1082;
	[sflag:s4] =	ssyncset.s32 $0xFFFFF086  }
0x25: {  	[simem:s6], [sflag:s4] =	dma.local [hbm:s3], $0xF7A  }
0x26: {  	[smem:$0x3F9E] =	sst s1;
	(tag) =	ssettag s2;
	_ =	strace s9  }
0x27: {  	s1 =	sld [smem:$0x3FAE]  }
0x28: {  	s2 =	sld [smem:$0x3FAF]  }
0x29: {  	s4 =	sld [smem:$0x3FB1]  }
0x2a: {  	p0 =	seq.s32 s5, $0x0;
	s5 =	sld [smem:$0x3FB2]  }
0x2b: {  	s6 =	sld [smem:$0x3FB3]  }
0x2c: {  	s7 =	sld [smem:$0x3FB4]  }
0x2d: {  	s3 =	simm.s32 $0x108;
	s8 =	sld [smem:$0x3FB5]  }
0x2e: {  	s3 =	simm.s32 @!p0 $0x1082;
	s9 =	sld [smem:$0x3FB6]  }
0x2f: {  	lr =	sadd.s32 s0, s3;
	s0 =	sld [smem:$0x3FAD]  }
0x30: {  	s3 =	sld [smem:$0x3FB0]  }
0x31: {  	[smem:$0x3FB9] =	sst s10  }
0x32: {  	s10 =	sld [smem:$0x3FB7];
	_ =	sdelay $0x3  }
0x33: {  	p0 =	seq.s32 s10, $0x1;
	s10 =	sld [smem:$0x3FB9];
	_ =	sdelay $0x3  }
0x34: {  	[smem:$0x3FB9] =	sst s10  }
0x35: {  	s10 =	sld [smem:$0x3FB8];
	_ =	sdelay $0x3  }
0x36: {  	p1 =	seq.s32 s10, $0x1;
	s10 =	sld [smem:$0x3FB9];
	_ =	sdelay $0x3  }
0x37: {  	[smem:$0x3FB9] =	sst s10  }
0x38: {  	s10 =	sld [smem:$0x3FBA]  }
0x39: {  	_ = 	snop;
	(pc) =	sbr.ind lr, $3  }
0x3a: {  	_ = 	snop  }
0x3b: {  	_ = 	snop  }
0x3c: {  	p2 =	seq.s32 s10, $0x1;
	s10 =	sld [smem:$0x3FB9]  }
0x3d: {  	_ =	shalt  }
0x3e: {  	_ =	shalt  }
0x3f: {  	_ =	shalt  }
0x40: {  	_ =	shalt  }
0x41: {  	_ =	shalt  }
0x42: {  	_ =	shalt  }
0x43: {  	_ =	shalt  }
0x44: {  	_ =	shalt  }
0x45: {  	_ =	shalt  }
0x46: {  	_ =	shalt  }
0x47: {  	_ =	shalt  }
0x48: {  	_ =	shalt  }
0x49: {  	_ =	shalt  }
0x4a: {  	_ =	shalt  }
0x4b: {  	_ =	shalt  }
0x4c: {  	_ =	shalt  }
0x4d: {  	_ =	shalt  }
0x4e: {  	_ =	shalt  }
0x4f: {  	_ =	shalt  }
0x50: {  	_ =	shalt  }
0x51: {  	_ =	shalt  }
0x52: {  	_ =	shalt  }
0x53: {  	_ =	shalt  }
0x54: {  	_ =	shalt  }
0x55: {  	_ =	shalt  }
0x56: {  	_ =	shalt  }
0x57: {  	_ =	shalt  }
0x58: {  	_ =	shalt  }
0x59: {  	_ =	shalt  }
0x5a: {  	_ =	shalt  }
0x5b: {  	_ =	shalt  }
0x5c: {  	_ =	shalt  }
0x5d: {  	_ =	shalt  }
0x5e: {  	_ =	shalt  }
0x5f: {  	_ =	shalt  }
0x60: {  	_ =	shalt  }
0x61: {  	_ =	shalt  }
0x62: {  	_ =	shalt  }
0x63: {  	_ =	shalt  }
0x64: {  	_ =	shalt  }
0x65: {  	_ =	shalt  }
0x66: {  	_ =	shalt  }
0x67: {  	_ =	shalt  }
0x68: {  	_ =	shalt  }
0x69: {  	_ =	shalt  }
0x6a: {  	_ =	shalt  }
0x6b: {  	_ =	shalt  }
0x6c: {  	_ =	shalt  }
0x6d: {  	_ =	shalt  }
0x6e: {  	_ =	shalt  }
0x6f: {  	_ =	shalt  }
0x70: {  	_ =	shalt  }
0x71: {  	_ =	shalt  }
0x72: {  	_ =	shalt  }
0x73: {  	_ =	shalt  }
0x74: {  	_ =	shalt  }
0x75: {  	_ =	shalt  }
0x76: {  	_ =	shalt  }
0x77: {  	_ =	shalt  }
0x78: {  	_ =	shalt  }
0x79: {  	_ =	shalt  }
0x7a: {  	_ =	shalt  }
0x7b: {  	_ =	shalt  }
0x7c: {  	_ =	shalt  }
0x7d: {  	_ =	shalt  }
0x7e: {  	_ =	shalt  }
0x7f: {  	_ =	shalt  }
0x80: {  	_ =	shalt  }
0x81: {  	_ =	shalt  }
0x82: {  	_ =	shalt  }
0x83: {  	_ =	shalt  }
0x84: {  	_ =	shalt  }
0x85: {  	_ =	shalt  }
0x86: {  	_ =	shalt  }
0x87: {  	_ =	shalt  }
.Lfunc_end0:
.L_simem_size_0:
called_computation_lowered:
.L_overlay_start_0:
0x88: {  	s2 =	sld [smem:$0x3FD9]  }
0x89: {  	s3 =	sld [smem:$0x3FFE];
	_ =	sdelay $0x1  }
0x8a: {  	s1 =	srdreg.scid  }
0x8b: {  	s0 =	sand.u32 $0x1, s1  }
0x8c: {  	s17 =	sshll.u32 s0, $0xA;
	s2 =	sadd.s32 s3, s2  }
0x8d: {  	s2 =	sadd.s32 s2, s17  }
0x8e: {  	[smem:$0x3FC5] =	sst s2  }
0x8f: {  	_ = 	snop  }
0x90: {  	s2 =	sld [smem:$0x3FC8]  }
0x91: {  	s18 =	sld [smem:$0x3FC7]  }
0x92: {  	s4 =	sld [smem:$0x3FD0];
	(tm) =	ssettm $0x1  }
0x93: {  	s5 =	sld [smem:$0x3FFB];
	_ =	sdelay $0x3  }
0x94: {  	_ =	strace s5  }
0x95: {  	s5 =	sld [smem:$0x3FFC];
	_ =	sdelay $0x3  }
0x96: {  	_ =	strace s5  }
0x97: {  	s5 =	sld [smem:$0x3FFD];
	_ =	sdelay $0x3  }
0x98: {  	_ =	strace s5  }
0x99: {  	_ =	strace $0x8FFFFFFF  }
0x9a: {  	s19 =	sld [smem:$0x3FDB];
	_ =	sdelay $0x1  }
0x9b: {  	s6 =	simm.s32 $_scs_section_size  }
0x9c: {  	s7 =	simm.s32 $_size__tile_overlayer_lowered;
	s8 =	simm.s32 $_tile_overlayer_lowered  }
0x9d: {  	s22 =	simm.s32 $0x1BFF;
	s21 =	sshll.u32 s8, $0x1;
	s5 =	sadd.s32 s6, s19  }
0x9e: {  	s9 =	simm.s32 $0x0;
	s20 =	sshll.u32 s7, $0x1;
	s7 =	sadd.s32 s21, s5  }
0x9f: {  	[timem:s9], [sflag:s22] =	dma.local [hbm:s7], s20  }
0xa0: {  	_ =	swait.ge [sflag:s22], s20  }
0xa1: {  	s6 =	ssub.s32 $0x0, s20;
	[sflag:s22] =	ssyncset.done $0x0  }
0xa2: {  	[sflag:s22] =	ssyncadd.s32 s6;
	_ =	sdelay $0x1  }
0xa3: {  	s23 =	simm.s32 $0x1B8B  }
0xa4: {  	_ =	swait.ge [sflag:s23], $0x1  }
0xa5: {  	[sflag:s23] =	ssyncset.done $0x0  }
0xa6: {  	s25 =	simm.s32 $0x1B8E;
	s24 =	sld [smem:$0x3FFE];
	[sflag:s23] =	ssyncadd.s32 $0xFFFFFFFF  }
0xa7: {  	s26 =	simm.s32 $execute0_lowered;
	[smem:$0x3FD2] =	sst s25  }
0xa8: {  	s7 =	sshll.u32 s26, $0x1;
	_ =	strace $0x80000046;
	[dreg:$0x1] =	wrdreg $0xFFFFFFFF  }
0xa9: {  	s28 =	simm.s32 $_size_execute0_lowered;
	s5 =	sadd.s32 s5, s7;
	[dreg:$0x0] =	wrdreg $0x0  }
0xaa: {  	s7 =	sshll.u32 s28, $0x1;
	[dreg:$0x2] =	wrdreg s5  }
0xab: {  	[dreg:$0x3] =	wrdreg s7  }
0xac: {  	[dreg:$0x4] =	wrdreg $0xC0  }
0xad: {  	_ =	task [dreg:s9], $0x5FFFF  }
0xae: {  	[dreg:$0x1] =	wrdreg $0xFFFFFFFF  }
0xaf: {  	[dreg:$0x0] =	wrdreg $0x60  }
0xb0: {  	[dreg:$0x2] =	wrdreg s24  }
0xb1: {  	[dreg:$0x3] =	wrdreg s2  }
0xb2: {  	[dreg:$0x4] =	wrdreg s18  }
0xb3: {  	[dreg:$0x5] =	wrdreg s4  }
0xb4: {  	[dreg:$0x6] =	wrdreg $0x51000  }
0xb5: {  	[dreg:$0x7] =	wrdreg $0x9  }
0xb6: {  	_ =	task.clear_ibuf [dreg:s9], $0x8FFFF;
	_ =	strace $0x90000046  }
0xb7: {  	s29 =	simm.s32 $0x9;
	_ =	strace $0x80000048  }
0xb8: {  	_ =	swait.ge [sflag:s29], $0x1  }
0xb9: {  	[sflag:s29] =	ssyncadd.s32 $0xFFFFFFFF  }
0xba: {  	_ =	strace $0x90000048  }
0xbb: {  	_ =	sfence  }
0xbc: {  	s30 =	sld [smem:$0x0];
	_ =	sdelay $0x2  }
0xbd: {  	s31 =	sshll.u32 s1, $0xD;
	s1 =	sshrl.u32 s1, $0x2  }
0xbe: {  	s3 =	sand.u32 $0x4000, s31;
	s1 =	sadd.s32 s1, s30  }
0xbf: {  	s0 =	sor.u32 s3, s0;
	s1 =	sshll.u32 s1, $0x11  }
0xc0: {  	s0 =	sor.u32 s1, s0  }
0xc1: {  	s0 =	sadd.s32 $0x8F2B, s0  }
0xc2: {  	[sflag:s0] =	ssyncadd.remote.s32 $0x1  }
0xc3: {  	_ =	sfence.sel $0xFFFF  }
0xc4: {  	[dreg:$0x0] =	wrdreg $0xFFFFFFFF;
	(pc) =	sbr.abs _section_cstart, $3  }
0xc5: {  	[dreg:$0x1] =	wrdreg $0xFFFFFFFF  }
0xc6: {  	_ =	task.clear_ibuf [dreg:s9], $0x2FFFF;
	_ =	strace $0x9FFFFFFF  }
0xc7: {  	(tm) =	ssettm $0x7FFFFFFF  }
tec
execute0_lowered:
.L_overlay_start_1:
0x0: {  	(tag) =	ssettag $0x1  }
0x1: {  	s4 =	rddreg [dreg:$0x0]  }
0x2: {  	s5 =	rddreg [dreg:$0x1]  }
0x3: {  	s6 =	rddreg [dreg:$0x2]  }
0x4: {  	s7 =	rddreg [dreg:$0x3]  }
0x5: {  	s2 =	rddreg [dreg:$0x4];
	s1 =	stileid.u32  }
0x6: {  	s0 =	rddreg [dreg:$0x5];
	s3 =	simm.s32 $0x0;
	s9 =	srdreg.scid  }
0x7: {  	s14 =	simm.s32 $0x1;
	s17 =	simm.s32 $0x10;
	s8 =	smul.u32 $0x1400, s1  }
0x8: {  	s18 =	simm.s32 $0x0;
	[smem:$0x7FF] =	sst s3;
	s11 =	smul.u32 $0x180, s1  }
0x9: {  	s9 =	sand.u32 $0x1, s9;
	s25 =	sshll.u32 s1, $0x4;
	s16 =	smul.u32 $0x60, s1  }
0xa: {  	s31 =	sshll.u32 s1, $0x6;
	_ =	strace $0x80000047;
	s24 =	ssub.s32 $0x2, s9  }
0xb: {  	s10 =	sshll.u32 s9, $0x8;
	s29 =	sshll.u32 s9, $0x4;
	s13 =	smul.u32 $0xA00, s9  }
0xc: {  	s9 =	sor.u32 $0x1C02, s31;
	s8 =	sadd.s32 s8, s4;
	s12 =	sshrl.u32 s24, $0x1  }
0xd: {  	s6 =	sadd.s32 s6, s10;
	s26 =	sshrl.u32 s11, $0x3;
	s28 =	sadd.s32 s11, s2  }
.Ltmp0:
0xe: {  	s15 =	sadd.s32 s7, s29;
	s7 =	simm.s32 $0x5080;
	(pc) =	sbr.rel .LBB2_1-.Ltmp0, $4  }
0xf: {  	s12 =	ssub.s32 s24, s12;
	s4 =	sadd.s32 s25, s6;
	s5 =	sadd.s32 s5, s26  }
0x10: {  	s30 =	sadd.s32 $0x400, s8;
	s8 =	simm.s32 $0x2;
	s10 =	sshrl.u32 s28, $0x3  }
0x11: {  	s15 =	sadd.s32 s16, s15;
	s16 =	simm.s32 $0x20;
	s6 =	smax.u32 s12, $0x1  }
0x12: {  	v0 =	vimm.f32 $1.000000000e+00;
	s11 =	sadd.s32 s13, s30;
	s12 =	simm.s32 $0x80;
	s13 =	simm.s32 $0x5000  }
.LBB2_6:
0x13: {  	[sflag:s14] =	ssyncadd.s32 $0xFFFFFF80  }
.LBB2_7:
0x14: {  	s18 =	sadd.s32 $0x1, s18  }
0x15: {  	p0 =	sne.s32 s18, s6  }
.Ltmp1:
0x16: {  	[bflag:$0x0] =	sbarrier.arrive $0xFFFF;
	(pc) =	sbr.rel @!p0 .LBB2_8-.Ltmp1, $4  }
0x17: {  	[hbm:s15@s16], [sflag:s9] =	dma.strided [spmem:s10@s17], $0x30, s14, $0x10   }
0x18: {  	_ =	swait.ge [sflag:s8], $0x30  }
0x19: {  	[sflag:s8] =	ssyncset.done $0x0  }
0x1a: {  	[sflag:s8] =	ssyncadd.s32 $0xFFFFFFD0  }
.LBB2_1:
0x1b: {  	[tilespmem:s7], [sflag:$0x2] =	stream.linear.gather [hbm4b:s4+s3], $0x80, $0x38;
	[tilespmem:$0x5280] =	vst v63  }
0x1c: {  	_ =	swait.ge [sflag:s8], $0x80  }
0x1d: {  	[sflag:s8] =	ssyncset.done $0x0  }
0x1e: {  	[sflag:s8] =	ssyncadd.s32 $0xFFFFFF80  }
0x1f: {  	v1 =	vld [tilespmem:$0x5080];
	_ =	sdelay $0x4  }
0x20: {  	v1 =	vxor.u32 $0x80000000, v1  }
0x21: {  	(xrf0) =	vmax.scan.msk.u32 $0xffff, v1;
	_ =	sdelay $0x5  }
0x22: {  	v1, _, _ =	vpop (xrf0)  }
0x23: {  	(v2sf) =	vpush v1, $0xF;
	_ =	sdelay $0x7  }
0x24: {  	[tilespmem:$0x5000] =	vst v0  }
0x25: {  	[tilespmem:$0x5010] =	vst v0  }
0x26: {  	[tilespmem:$0x5020] =	vst v0  }
0x27: {  	[tilespmem:$0x5030] =	vst v0  }
0x28: {  	[tilespmem:$0x5040] =	vst v0  }
0x29: {  	[tilespmem:$0x5050] =	vst v0  }
0x2a: {  	[tilespmem:$0x5060] =	vst v0  }
0x2b: {  	[tilespmem:$0x5070] =	vst v0;
	s19 =	spop (v2sf)  }
0x2c: {  	[spmem:s10], [sflag:s9] =	dma.local [hbm:s5], $0x30  }
0x2d: {  	_ =	swait.ge [sflag:s8], $0x30  }
0x2e: {  	s19 =	sxor.u32 $0x80000000, s19;
	[sflag:s8] =	ssyncset.done $0x0  }
0x2f: {  	p0 =	slt.s32 s19, $0x1;
	[sflag:s8] =	ssyncadd.s32 $0xFFFFFFD0  }
0x30: {  	[tilespmem:s3], [sflag:$0x2] =	stream.linear.gather [hbm4b:s11+s3], $0x4F00, $0x38;
	[tilespmem:$0x5280] =	vst v63  }
.Ltmp2:
0x31: {  	_ =	swait.ge [sflag:s8], $0x4F00;
	(pc) =	sbr.rel @p0 .LBB2_7-.Ltmp2, $3  }
0x32: {  	[sflag:s8] =	ssyncset.done $0x0  }
0x33: {  	[sflag:s8] =	ssyncadd.s32 $0xFFFFB100  }
0x34: {  	[bflag:$0x0] =	sbarrier.arrive $0xFFFF;
	_ =	sdelay $0x1  }
0x35: {  	p0 =	sne.s32 s19, $0x1  }
.Ltmp3:
0x36: {  	_ = 	snop;
	(pc) =	sbr.rel @!p0 .LBB2_4-.Ltmp3, $3  }
0x37: {  	_ =	sdelay $0x1  }
0x38: {  	[spmem:s2] =	stream.indirect.scatter.add.f32 [tilespmem:s13], [sflag:$0x1], $0x1, s3, s12, $0xb8;
	[tilespmem:$0x5280] =	vst v63  }
0x39: {  	s20 =	sadd.s32 $0xFFFFFFFF, s19;
	s21 =	simm.s32 $0x0  }
.LBB2_3:
0x3a: {  	p0 =	sne.s32 s20, $0x1  }
.Ltmp4:
0x3b: {  	_ = 	snop;
	(pc) =	sbr.rel @p0 .LBB2_3-.Ltmp4, $3  }
0x3c: {  	_ = 	snop  }
0x3d: {  	s20 =	sadd.s32 $0xFFFFFFFF, s20;
	s21 =	sadd.s32 $0x80, s21;
	_ =	sdelay $0x1  }
0x3e: {  	[spmem:s2] =	stream.indirect.scatter.add.f32 [tilespmem:s13], [sflag:$0x1], $0x1, s21, s12, $0xb8;
	[tilespmem:$0x5280] =	vst v63  }
.LBB2_4:
0x3f: {  	p0 =	sne.s32 s19, $0x1  }
.Ltmp5:
0x40: {  	_ = 	snop;
	(pc) =	sbr.rel @!p0 .LBB2_6-.Ltmp5, $3  }
0x41: {  	_ =	sdelay $0x1  }
0x42: {  	_ =	swait.ge [sflag:s14], $0x80  }
0x43: {  	s19 =	sadd.s32 $0xFFFFFFFF, s19;
	[sflag:s14] =	ssyncset.done $0x0  }
.LBB2_5:
0x44: {  	p0 =	sne.s32 s19, $0x1;
	s19 =	sadd.s32 $0xFFFFFFFF, s19;
	[sflag:s14] =	ssyncadd.s32 $0xFFFFFF80  }
.Ltmp6:
0x45: {  	(pc) =	sbr.rel @p0 .LBB2_5-.Ltmp6, $3  }
0x46: {  	_ =	sdelay $0x1  }
0x47: {  	_ =	swait.ge [sflag:s14], $0x80  }
0x48: {  	[sflag:s14] =	ssyncset.done $0x0  }
.Ltmp7:
0x49: {  	_ = 	snop;
	(pc) =	sbr.rel .LBB2_6-.Ltmp7, $1  }
0x4a: {  	_ =	sdelay $0x3  }
.LBB2_8:
0x4b: {  	_ =	sfence.sel $0x180000  }
0x4c: {  	[bflag:$0x0] =	sbarrier.arrive $0xFFFF  }
0x4d: {  	p0 =	sne.s32 s1, $0x0;
	_ =	strace $0x90000047  }
0x4e: {  	s0 =	sadd.s32 @!p0 $0x100000, s0;
	[bflag:$0x2] =	sbarrier.arrive $0xFFFF  }
0x4f: {  	[sflag:s0] =	ssyncadd.tile.s32 @!p0 $0x1;
	_ =	shalt  }
.Lfunc_end2:
_tile_overlayer_lowered:
.L_overlay_start_2:
0x50: {  	(tag) =	ssettag $0x2  }
0x51: {  	s0 =	rddreg [dreg:$0x0];
	s2 =	stileid.u32  }
0x52: {  	s1 =	rddreg [dreg:$0x1];
	p0 =	sne.s32 s2, $0x0  }
0x53: {  	s3 =	rddreg [dreg:$0x2];
	[bflag:$0x3] =	sbarrier.arrive $0xFFFF;
	s2 =	simm.s32 @!p0 $0x1C02  }
0x54: {  	[timem:s3], [sflag:s2] =	dma.local @!p0 [hbm:s0], s1  }
0x55: {  	s0 =	simm.s32 @!p0 $0x2  }
0x56: {  	_ =	swait.ge @!p0 [sflag:s0], s1  }
0x57: {  	s1 =	ssub.s32 @!p0 $0x0, s1;
	[sflag:s0] =	ssyncset.done @!p0 $0x0  }
0x58: {  	[sflag:s0] =	ssyncadd.s32 @!p0 s1  }
0x59: {  	[bflag:$0x3] =	sbarrier.arrive $0xFFFF  }
0x5a: {  	_ =	shalt  }

</sc_bundles>
